<compile_context>
chip_gen: v7x
topology: tpu7x:2x2x1
jax: 0.10.2.dev20260603
libtpu: 0.0.44.dev20260713+nightly
codegen_flags: <defaults>
</compile_context>

<pallas_src>
import functools

import jax
import jax.numpy as jnp
from jax import lax
from jax.experimental import pallas as pl
from jax.experimental.pallas import tpu as pltpu
from jax.experimental.pallas import tpu_sc as plsc

ZMAXPAD = 88
DIM = 64
N_ATOMS = 1048576
HALF = N_ATOMS // 2

NC = 2
NS = 16
NW = NC * NS
B_PER_W = N_ATOMS // NW
CHUNK = 128
N_CHUNKS = B_PER_W // CHUNK
NBUF = 4

BR = 512


def _sc_gather_call():
    mesh = plsc.VectorSubcoreMesh(core_axis_name="c", subcore_axis_name="s")

    @functools.partial(
        pl.kernel,
        mesh=mesh,
        compiler_params=pltpu.CompilerParams(use_tc_tiling_on_sc=False),
        out_type=jax.ShapeDtypeStruct((HALF, 128), jnp.float32),
        scratch_types=[
            pltpu.VMEM((B_PER_W,), jnp.int32),
            [pltpu.VMEM((CHUNK, DIM), jnp.float32) for _ in range(NBUF)],
            [pltpu.SemaphoreType.DMA for _ in range(NBUF)],
            [pltpu.SemaphoreType.DMA for _ in range(NBUF)],
        ],
    )
    def sc_gather(species_hbm, table_hbm, out_hbm, idx_v, rows, gsems, wsems):
        wid = lax.axis_index("s") * NC + lax.axis_index("c")
        base_row = wid * B_PER_W
        pltpu.sync_copy(species_hbm.at[pl.ds(base_row, B_PER_W)], idx_v)
        my_table = table_hbm.at[wid]
        p = wid // (NW // 2)
        r_base = base_row - p * HALF
        c0 = p * DIM

        def body(jj, _):
            base_j = NBUF * jj
            for k in range(NBUF):
                j = base_j + k

                @pl.when(jj > 0)
                def _drain_write():
                    pltpu.make_async_copy(
                        rows[k],
                        out_hbm.at[pl.ds(r_base + j * CHUNK, CHUNK),
                                   pl.ds(c0, DIM)],
                        wsems[k]).wait()

                pltpu.async_copy(
                    my_table.at[idx_v.at[pl.ds(j * CHUNK, CHUNK)]],
                    rows[k], gsems[k])

            for k in range(NBUF):
                j = base_j + k
                pltpu.make_async_copy(
                    my_table.at[idx_v.at[pl.ds(j * CHUNK, CHUNK)]],
                    rows[k], gsems[k]).wait()
                pltpu.async_copy(
                    rows[k],
                    out_hbm.at[pl.ds(r_base + j * CHUNK, CHUNK),
                               pl.ds(c0, DIM)],
                    wsems[k])
            return None

        lax.fori_loop(0, N_CHUNKS // NBUF, body, None)
        for k in range(NBUF):
            j = N_CHUNKS - NBUF + k
            pltpu.make_async_copy(
                rows[k],
                out_hbm.at[pl.ds(r_base + j * CHUNK, CHUNK), pl.ds(c0, DIM)],
                wsems[k]).wait()

    return sc_gather


def _tc_format(y, perm):
    def body(x_ref, p_ref, o_ref):
        o_ref[...] = lax.dot_general(
            p_ref[...], x_ref[...], (((1,), (1,)), ((), ())),
            preferred_element_type=jnp.float32)

    return pl.pallas_call(
        body,
        grid=(HALF // BR,),
        in_specs=[
            pl.BlockSpec((BR, 128), lambda b: (b, 0)),
            pl.BlockSpec((128, 128), lambda b: (0, 0)),
        ],
        out_specs=pl.BlockSpec((128, BR), lambda b: (0, b)),
        out_shape=jax.ShapeDtypeStruct((128, HALF), jnp.float32),
    )(y, perm)


def kernel(species, table):
    table_rep = jnp.tile(table[None], (NW, 1, 1))
    y = _sc_gather_call()(species, table_rep)

    c = jnp.arange(128)
    k_of_c = ((c % DIM) // 8) * 16 + (c // DIM) * 8 + (c % 8)
    perm = (jnp.arange(128)[:, None] == k_of_c[None, :]).astype(jnp.float32)

    out_t2 = _tc_format(y, perm)
    o = out_t2.reshape(8, 2, 8, HALF)
    o = o.transpose(1, 3, 0, 2)
    return o.reshape(N_ATOMS, DIM)

# --- scband reference (transcript-rebuilt; emitter-appended) ---
"""Pipeline reference for scband-species-encoding-78460462563706 (READ-ONLY COPY).

The authoritative reference and input builder live on the scoring server;
editing this copy changes nothing except your own understanding.
"""

import jax, jax.numpy as jnp
import numpy as np

ZMAX = 86
ZMAXPAD = ZMAX + 2  # 88 rows: pad row 0, elements 1..86, extra pad row
DIM = 64
N_ATOMS = 1048576

def setup_inputs(seed: int = 0) -> dict:
    key = jax.random.key(seed)
    k_idx, k_tab = jax.random.split(key)
    # species atomic numbers (0 = padding); values in [0, ZMAXPAD)
    species = jax.random.randint(k_idx, (N_ATOMS,), 0, ZMAXPAD, dtype=jnp.int32)
    # 'random' encoding: trainable embedding table of shape (zmaxpad, dim),
    # initialized like flax nn.Embed default (normal scaled by 1/sqrt(dim))
    table = jax.random.normal(k_tab, (ZMAXPAD, DIM), dtype=jnp.float32) / jnp.sqrt(DIM)
    return {"species": species, "table": table}

def reference(species, table):
    # SpeciesEncoding with encoding='random': gather trainable rows by atomic number
    out = jnp.take(table, species, axis=0)
    return out

if __name__ == "__main__":
    import jax
    _d = setup_inputs()
    print(jax.jit(kernel)(*tuple(_d.values())))

</pallas_src>

<mosaic_0001>
#map = affine_map<(d0, d1) -> (0)>
#map1 = affine_map<(d0, d1) -> (0, 0, 0)>
#map2 = affine_map<(d0, d1) -> (0, 0)>
module attributes {stable_mosaic.version = 14 : i64} {
  func.func @sc_gather(%arg0: i32, %arg1: i32, %arg2: memref<1048576xi32, #tpu.memory_space<hbm>>, %arg3: memref<32x88x64xf32, #tpu.memory_space<hbm>>, %arg4: memref<524288x128xf32, #tpu.memory_space<hbm>>, %arg5: memref<32768xi32, #tpu.memory_space<vmem>>, %arg6: memref<128x64xf32, #tpu.memory_space<vmem>>, %arg7: memref<128x64xf32, #tpu.memory_space<vmem>>, %arg8: memref<128x64xf32, #tpu.memory_space<vmem>>, %arg9: memref<128x64xf32, #tpu.memory_space<vmem>>, %arg10: memref<!tpu.dma_semaphore, #tpu.memory_space<semaphore_mem>>, %arg11: memref<!tpu.dma_semaphore, #tpu.memory_space<semaphore_mem>>, %arg12: memref<!tpu.dma_semaphore, #tpu.memory_space<semaphore_mem>>, %arg13: memref<!tpu.dma_semaphore, #tpu.memory_space<semaphore_mem>>, %arg14: memref<!tpu.dma_semaphore, #tpu.memory_space<semaphore_mem>>, %arg15: memref<!tpu.dma_semaphore, #tpu.memory_space<semaphore_mem>>, %arg16: memref<!tpu.dma_semaphore, #tpu.memory_space<semaphore_mem>>, %arg17: memref<!tpu.dma_semaphore, #tpu.memory_space<semaphore_mem>>) attributes {dimension_semantics = [#tpu.dimension_semantics<core_parallel>, #tpu.dimension_semantics<subcore_parallel>], iteration_bounds = array<i64: 2, 16>, scalar_prefetch = 0 : i64, scratch_operands = 13 : i64, tpu.core_type = #tpu.core_type<sc_vector_subcore>, window_params = [{transform_indices = #map}, {transform_indices = #map1}, {transform_indices = #map2}]} {
    %mul3A = arith.constant 2 : i32
    %mul3A_0 = arith.muli %arg1, %mul3A : i32
    %add3A = arith.addi %mul3A_0, %arg0 : i32
    %mul3A_1 = arith.constant 32768 : i32
    %mul3A_2 = arith.muli %add3A, %mul3A_1 : i32
    "tpu.region"() ({
      %run_scoped3A = tpu.sem_alloc : memref<!tpu.dma_semaphore, #tpu.memory_space<semaphore_mem>>
      %dma_start3A = tpu.memref_slice %arg2[%mul3A_2] : memref<1048576xi32, #tpu.memory_space<hbm>> -> memref<32768xi32, #tpu.memory_space<hbm>>
      %dma_start3A_43 = tpu.memref_slice %arg2[%mul3A_2] : memref<1048576xi32, #tpu.memory_space<hbm>> -> memref<32768xi32, #tpu.memory_space<hbm>>
      tpu.enqueue_dma source(%dma_start3A_43 : memref<32768xi32, #tpu.memory_space<hbm>>) target(%arg5 : memref<32768xi32, #tpu.memory_space<vmem>>) target_semaphore(%run_scoped3A : memref<!tpu.dma_semaphore, #tpu.memory_space<semaphore_mem>>)
      %dma_wait3A_44 = tpu.memref_slice %arg2[%mul3A_2] : memref<1048576xi32, #tpu.memory_space<hbm>> -> memref<32768xi32, #tpu.memory_space<hbm>>
      %dma_wait3A_45 = tpu.memref_slice %arg2[%mul3A_2] : memref<1048576xi32, #tpu.memory_space<hbm>> -> memref<32768xi32, #tpu.memory_space<hbm>>
      tpu.wait_dma2 semaphore(%run_scoped3A : memref<!tpu.dma_semaphore, #tpu.memory_space<semaphore_mem>>) src(%dma_wait3A_45 : memref<32768xi32, #tpu.memory_space<hbm>>) dst(%arg5 : memref<32768xi32, #tpu.memory_space<vmem>>)
      tpu.yield
    }) : () -> ()
    %jit3A = arith.constant 16 : i32
    %div3A = arith.divsi %add3A, %jit3A : i32
    %sign3A = arith.constant 0 : i32
    %sign3A_3 = arith.cmpi sgt, %add3A, %sign3A : i32
    %sign3A_4 = arith.extui %sign3A_3 : i1 to i32
    %sign3A_5 = arith.constant 0 : i32
    %sign3A_6 = arith.cmpi slt, %add3A, %sign3A_5 : i32
    %sign3A_7 = arith.extui %sign3A_6 : i1 to i32
    %sign3A_8 = arith.subi %sign3A_4, %sign3A_7 : i32
    %sign3A_9 = arith.constant 0 : i32
    %sign3A_10 = arith.cmpi sgt, %jit3A, %sign3A_9 : i32
    %sign3A_11 = arith.extui %sign3A_10 : i1 to i32
    %sign3A_12 = arith.constant 0 : i32
    %sign3A_13 = arith.cmpi slt, %jit3A, %sign3A_12 : i32
    %sign3A_14 = arith.extui %sign3A_13 : i1 to i32
    %sign3A_15 = arith.subi %sign3A_11, %sign3A_14 : i32
    %ne3A = arith.cmpi ne, %sign3A_8, %sign3A_15 : i32
    %rem3A = arith.remsi %add3A, %jit3A : i32
    %ne3A_16 = arith.constant 0 : i32
    %ne3A_17 = arith.cmpi ne, %rem3A, %ne3A_16 : i32
    %and3A = arith.andi %ne3A, %ne3A_17 : i1
    %sub3A = arith.constant 1 : i32
    %sub3A_18 = arith.subi %div3A, %sub3A : i32
    %select_n3A = arith.select %and3A, %sub3A_18, %div3A : i32
    %mul3A_19 = arith.constant 524288 : i32
    %mul3A_20 = arith.muli %select_n3A, %mul3A_19 : i32
    %sub3A_21 = arith.subi %mul3A_2, %mul3A_20 : i32
    %mul3A_22 = arith.constant 64 : i32
    %mul3A_23 = arith.muli %select_n3A, %mul3A_22 : i32
    %scan3A = arith.constant 0 : i32
    %scan3A_24 = arith.constant 64 : i32
    %scan3A_25 = arith.addi %scan3A, %scan3A_24 : i32
    %scan3A_26 = arith.constant 1 : i32
    scf.for %scan3A_43 = %scan3A to %scan3A_25 step %scan3A_26  : i32 {
      %mul3A_44 = arith.constant 4 : i32
      %mul3A_45 = arith.muli %mul3A_44, %scan3A_43 : i32
      %add3A_46 = arith.constant 0 : i32
      %add3A_47 = arith.addi %mul3A_45, %add3A_46 : i32
      %gt3A = arith.constant 0 : i32
      %gt3A_48 = arith.cmpi sgt, %scan3A_43, %gt3A : i32
      %convert_element_type3A = arith.extui %gt3A_48 : i1 to i32
      %cond3A = arith.constant 0 : i32
      %cond3A_49 = arith.cmpi ne, %convert_element_type3A, %cond3A : i32
      scf.if %cond3A_49 {
        %mul3A_178 = arith.constant 128 : i32
        %mul3A_179 = arith.muli %add3A_47, %mul3A_178 : i32
        %add3A_180 = arith.addi %sub3A_21, %mul3A_179 : i32
        %dma_wait3A_181 = tpu.memref_slice %arg4[%add3A_180, %mul3A_23] : memref<524288x128xf32, #tpu.memory_space<hbm>> -> memref<128x64xf32, #tpu.memory_space<hbm>>
        %dma_wait3A_182 = tpu.memref_slice %arg4[%add3A_180, %mul3A_23] : memref<524288x128xf32, #tpu.memory_space<hbm>> -> memref<128x64xf32, #tpu.memory_space<hbm>>
        tpu.wait_dma2 semaphore(%arg14 : memref<!tpu.dma_semaphore, #tpu.memory_space<semaphore_mem>>) src(%arg6 : memref<128x64xf32, #tpu.memory_space<vmem>>) dst(%dma_wait3A_182 : memref<128x64xf32, #tpu.memory_space<hbm>>)
      } else {
      }
      %mul3A_50 = arith.constant 128 : i32
      %mul3A_51 = arith.muli %add3A_47, %mul3A_50 : i32
      %dma_start3A = tpu.memref_slice %arg5[%mul3A_51] : memref<32768xi32, #tpu.memory_space<vmem>> -> memref<128xi32, #tpu.memory_space<vmem>>
      %dma_start3A_52 = arith.constant 0 : i32
      %dma_start3A_53 = arith.constant 0 : i32
      %dma_start3A_54 = tpu.memref_slice %arg3[%add3A, %dma_start3A_52, %dma_start3A_53] : memref<32x88x64xf32, #tpu.memory_space<hbm>> -> memref<1x88x64xf32, #tpu.memory_space<hbm>>
      %dma_start3A_55 = tpu.memref_squeeze %dma_start3A_54 : memref<1x88x64xf32, #tpu.memory_space<hbm>> -> memref<88x64xf32, #tpu.memory_space<hbm>>
      %dma_start3A_56 = arith.constant 0 : i32
      %dma_start3A_57 = arith.constant 0 : i32
      %dma_start3A_58 = tpu.memref_slice %dma_start3A_55[%dma_start3A_56, %dma_start3A_57] : memref<88x64xf32, #tpu.memory_space<hbm>> -> memref<88x64xf32, #tpu.memory_space<hbm>>
      tpu.enqueue_indirect_dma source(%dma_start3A_58 : memref<88x64xf32, #tpu.memory_space<hbm>>) target(%arg6 : memref<128x64xf32, #tpu.memory_space<vmem>>) offsets(%dma_start3A : memref<128xi32, #tpu.memory_space<vmem>>) semaphore(%arg10 : memref<!tpu.dma_semaphore, #tpu.memory_space<semaphore_mem>>)
      %add3A_59 = arith.constant 1 : i32
      %add3A_60 = arith.addi %mul3A_45, %add3A_59 : i32
      %gt3A_61 = arith.constant 0 : i32
      %gt3A_62 = arith.cmpi sgt, %scan3A_43, %gt3A_61 : i32
      %convert_element_type3A_63 = arith.extui %gt3A_62 : i1 to i32
      %cond3A_64 = arith.constant 0 : i32
      %cond3A_65 = arith.cmpi ne, %convert_element_type3A_63, %cond3A_64 : i32
      scf.if %cond3A_65 {
        %mul3A_178 = arith.constant 128 : i32
        %mul3A_179 = arith.muli %add3A_60, %mul3A_178 : i32
        %add3A_180 = arith.addi %sub3A_21, %mul3A_179 : i32
        %dma_wait3A_181 = tpu.memref_slice %arg4[%add3A_180, %mul3A_23] : memref<524288x128xf32, #tpu.memory_space<hbm>> -> memref<128x64xf32, #tpu.memory_space<hbm>>
        %dma_wait3A_182 = tpu.memref_slice %arg4[%add3A_180, %mul3A_23] : memref<524288x128xf32, #tpu.memory_space<hbm>> -> memref<128x64xf32, #tpu.memory_space<hbm>>
        tpu.wait_dma2 semaphore(%arg15 : memref<!tpu.dma_semaphore, #tpu.memory_space<semaphore_mem>>) src(%arg7 : memref<128x64xf32, #tpu.memory_space<vmem>>) dst(%dma_wait3A_182 : memref<128x64xf32, #tpu.memory_space<hbm>>)
      } else {
      }
      %mul3A_66 = arith.constant 128 : i32
      %mul3A_67 = arith.muli %add3A_60, %mul3A_66 : i32
      %dma_start3A_68 = tpu.memref_slice %arg5[%mul3A_67] : memref<32768xi32, #tpu.memory_space<vmem>> -> memref<128xi32, #tpu.memory_space<vmem>>
      %dma_start3A_69 = arith.constant 0 : i32
      %dma_start3A_70 = arith.constant 0 : i32
      %dma_start3A_71 = tpu.memref_slice %arg3[%add3A, %dma_start3A_69, %dma_start3A_70] : memref<32x88x64xf32, #tpu.memory_space<hbm>> -> memref<1x88x64xf32, #tpu.memory_space<hbm>>
      %dma_start3A_72 = tpu.memref_squeeze %dma_start3A_71 : memref<1x88x64xf32, #tpu.memory_space<hbm>> -> memref<88x64xf32, #tpu.memory_space<hbm>>
      %dma_start3A_73 = arith.constant 0 : i32
      %dma_start3A_74 = arith.constant 0 : i32
      %dma_start3A_75 = tpu.memref_slice %dma_start3A_72[%dma_start3A_73, %dma_start3A_74] : memref<88x64xf32, #tpu.memory_space<hbm>> -> memref<88x64xf32, #tpu.memory_space<hbm>>
      tpu.enqueue_indirect_dma source(%dma_start3A_75 : memref<88x64xf32, #tpu.memory_space<hbm>>) target(%arg7 : memref<128x64xf32, #tpu.memory_space<vmem>>) offsets(%dma_start3A_68 : memref<128xi32, #tpu.memory_space<vmem>>) semaphore(%arg11 : memref<!tpu.dma_semaphore, #tpu.memory_space<semaphore_mem>>)
      %add3A_76 = arith.constant 2 : i32
      %add3A_77 = arith.addi %mul3A_45, %add3A_76 : i32
      %gt3A_78 = arith.constant 0 : i32
      %gt3A_79 = arith.cmpi sgt, %scan3A_43, %gt3A_78 : i32
      %convert_element_type3A_80 = arith.extui %gt3A_79 : i1 to i32
      %cond3A_81 = arith.constant 0 : i32
      %cond3A_82 = arith.cmpi ne, %convert_element_type3A_80, %cond3A_81 : i32
      scf.if %cond3A_82 {
        %mul3A_178 = arith.constant 128 : i32
        %mul3A_179 = arith.muli %add3A_77, %mul3A_178 : i32
        %add3A_180 = arith.addi %sub3A_21, %mul3A_179 : i32
        %dma_wait3A_181 = tpu.memref_slice %arg4[%add3A_180, %mul3A_23] : memref<524288x128xf32, #tpu.memory_space<hbm>> -> memref<128x64xf32, #tpu.memory_space<hbm>>
        %dma_wait3A_182 = tpu.memref_slice %arg4[%add3A_180, %mul3A_23] : memref<524288x128xf32, #tpu.memory_space<hbm>> -> memref<128x64xf32, #tpu.memory_space<hbm>>
        tpu.wait_dma2 semaphore(%arg16 : memref<!tpu.dma_semaphore, #tpu.memory_space<semaphore_mem>>) src(%arg8 : memref<128x64xf32, #tpu.memory_space<vmem>>) dst(%dma_wait3A_182 : memref<128x64xf32, #tpu.memory_space<hbm>>)
      } else {
      }
      %mul3A_83 = arith.constant 128 : i32
      %mul3A_84 = arith.muli %add3A_77, %mul3A_83 : i32
      %dma_start3A_85 = tpu.memref_slice %arg5[%mul3A_84] : memref<32768xi32, #tpu.memory_space<vmem>> -> memref<128xi32, #tpu.memory_space<vmem>>
      %dma_start3A_86 = arith.constant 0 : i32
      %dma_start3A_87 = arith.constant 0 : i32
      %dma_start3A_88 = tpu.memref_slice %arg3[%add3A, %dma_start3A_86, %dma_start3A_87] : memref<32x88x64xf32, #tpu.memory_space<hbm>> -> memref<1x88x64xf32, #tpu.memory_space<hbm>>
      %dma_start3A_89 = tpu.memref_squeeze %dma_start3A_88 : memref<1x88x64xf32, #tpu.memory_space<hbm>> -> memref<88x64xf32, #tpu.memory_space<hbm>>
      %dma_start3A_90 = arith.constant 0 : i32
      %dma_start3A_91 = arith.constant 0 : i32
      %dma_start3A_92 = tpu.memref_slice %dma_start3A_89[%dma_start3A_90, %dma_start3A_91] : memref<88x64xf32, #tpu.memory_space<hbm>> -> memref<88x64xf32, #tpu.memory_space<hbm>>
      tpu.enqueue_indirect_dma source(%dma_start3A_92 : memref<88x64xf32, #tpu.memory_space<hbm>>) target(%arg8 : memref<128x64xf32, #tpu.memory_space<vmem>>) offsets(%dma_start3A_85 : memref<128xi32, #tpu.memory_space<vmem>>) semaphore(%arg12 : memref<!tpu.dma_semaphore, #tpu.memory_space<semaphore_mem>>)
      %add3A_93 = arith.constant 3 : i32
      %add3A_94 = arith.addi %mul3A_45, %add3A_93 : i32
      %gt3A_95 = arith.constant 0 : i32
      %gt3A_96 = arith.cmpi sgt, %scan3A_43, %gt3A_95 : i32
      %convert_element_type3A_97 = arith.extui %gt3A_96 : i1 to i32
      %cond3A_98 = arith.constant 0 : i32
      %cond3A_99 = arith.cmpi ne, %convert_element_type3A_97, %cond3A_98 : i32
      scf.if %cond3A_99 {
        %mul3A_178 = arith.constant 128 : i32
        %mul3A_179 = arith.muli %add3A_94, %mul3A_178 : i32
        %add3A_180 = arith.addi %sub3A_21, %mul3A_179 : i32
        %dma_wait3A_181 = tpu.memref_slice %arg4[%add3A_180, %mul3A_23] : memref<524288x128xf32, #tpu.memory_space<hbm>> -> memref<128x64xf32, #tpu.memory_space<hbm>>
        %dma_wait3A_182 = tpu.memref_slice %arg4[%add3A_180, %mul3A_23] : memref<524288x128xf32, #tpu.memory_space<hbm>> -> memref<128x64xf32, #tpu.memory_space<hbm>>
        tpu.wait_dma2 semaphore(%arg17 : memref<!tpu.dma_semaphore, #tpu.memory_space<semaphore_mem>>) src(%arg9 : memref<128x64xf32, #tpu.memory_space<vmem>>) dst(%dma_wait3A_182 : memref<128x64xf32, #tpu.memory_space<hbm>>)
      } else {
      }
      %mul3A_100 = arith.constant 128 : i32
      %mul3A_101 = arith.muli %add3A_94, %mul3A_100 : i32
      %dma_start3A_102 = tpu.memref_slice %arg5[%mul3A_101] : memref<32768xi32, #tpu.memory_space<vmem>> -> memref<128xi32, #tpu.memory_space<vmem>>
      %dma_start3A_103 = arith.constant 0 : i32
      %dma_start3A_104 = arith.constant 0 : i32
      %dma_start3A_105 = tpu.memref_slice %arg3[%add3A, %dma_start3A_103, %dma_start3A_104] : memref<32x88x64xf32, #tpu.memory_space<hbm>> -> memref<1x88x64xf32, #tpu.memory_space<hbm>>
      %dma_start3A_106 = tpu.memref_squeeze %dma_start3A_105 : memref<1x88x64xf32, #tpu.memory_space<hbm>> -> memref<88x64xf32, #tpu.memory_space<hbm>>
      %dma_start3A_107 = arith.constant 0 : i32
      %dma_start3A_108 = arith.constant 0 : i32
      %dma_start3A_109 = tpu.memref_slice %dma_start3A_106[%dma_start3A_107, %dma_start3A_108] : memref<88x64xf32, #tpu.memory_space<hbm>> -> memref<88x64xf32, #tpu.memory_space<hbm>>
      tpu.enqueue_indirect_dma source(%dma_start3A_109 : memref<88x64xf32, #tpu.memory_space<hbm>>) target(%arg9 : memref<128x64xf32, #tpu.memory_space<vmem>>) offsets(%dma_start3A_102 : memref<128xi32, #tpu.memory_space<vmem>>) semaphore(%arg13 : memref<!tpu.dma_semaphore, #tpu.memory_space<semaphore_mem>>)
      %add3A_110 = arith.constant 0 : i32
      %add3A_111 = arith.addi %mul3A_45, %add3A_110 : i32
      %mul3A_112 = arith.constant 128 : i32
      %mul3A_113 = arith.muli %add3A_111, %mul3A_112 : i32
      %dma_wait3A_114 = tpu.memref_slice %arg5[%mul3A_113] : memref<32768xi32, #tpu.memory_space<vmem>> -> memref<128xi32, #tpu.memory_space<vmem>>
      %dma_wait3A_115 = arith.constant 0 : i32
      %dma_wait3A_116 = arith.constant 0 : i32
      %dma_wait3A_117 = tpu.memref_slice %arg3[%add3A, %dma_wait3A_115, %dma_wait3A_116] : memref<32x88x64xf32, #tpu.memory_space<hbm>> -> memref<1x88x64xf32, #tpu.memory_space<hbm>>
      %dma_wait3A_118 = tpu.memref_squeeze %dma_wait3A_117 : memref<1x88x64xf32, #tpu.memory_space<hbm>> -> memref<88x64xf32, #tpu.memory_space<hbm>>
      %dma_wait3A_119 = arith.constant 0 : i32
      %dma_wait3A_120 = arith.constant 0 : i32
      %dma_wait3A_121 = tpu.memref_slice %dma_wait3A_118[%dma_wait3A_119, %dma_wait3A_120] : memref<88x64xf32, #tpu.memory_space<hbm>> -> memref<88x64xf32, #tpu.memory_space<hbm>>
      tpu.wait_indirect_dma semaphore(%arg10 : memref<!tpu.dma_semaphore, #tpu.memory_space<semaphore_mem>>) src(%dma_wait3A_121 : memref<88x64xf32, #tpu.memory_space<hbm>>) dst(%arg6 : memref<128x64xf32, #tpu.memory_space<vmem>>)
      %mul3A_122 = arith.constant 128 : i32
      %mul3A_123 = arith.muli %add3A_111, %mul3A_122 : i32
      %add3A_124 = arith.addi %sub3A_21, %mul3A_123 : i32
      %dma_start3A_125 = tpu.memref_slice %arg4[%add3A_124, %mul3A_23] : memref<524288x128xf32, #tpu.memory_space<hbm>> -> memref<128x64xf32, #tpu.memory_space<hbm>>
      %dma_start3A_126 = tpu.memref_slice %arg4[%add3A_124, %mul3A_23] : memref<524288x128xf32, #tpu.memory_space<hbm>> -> memref<128x64xf32, #tpu.memory_space<hbm>>
      tpu.enqueue_dma source(%arg6 : memref<128x64xf32, #tpu.memory_space<vmem>>) target(%dma_start3A_126 : memref<128x64xf32, #tpu.memory_space<hbm>>) target_semaphore(%arg14 : memref<!tpu.dma_semaphore, #tpu.memory_space<semaphore_mem>>)
      %add3A_127 = arith.constant 1 : i32
      %add3A_128 = arith.addi %mul3A_45, %add3A_127 : i32
      %mul3A_129 = arith.constant 128 : i32
      %mul3A_130 = arith.muli %add3A_128, %mul3A_129 : i32
      %dma_wait3A_131 = tpu.memref_slice %arg5[%mul3A_130] : memref<32768xi32, #tpu.memory_space<vmem>> -> memref<128xi32, #tpu.memory_space<vmem>>
      %dma_wait3A_132 = arith.constant 0 : i32
      %dma_wait3A_133 = arith.constant 0 : i32
      %dma_wait3A_134 = tpu.memref_slice %arg3[%add3A, %dma_wait3A_132, %dma_wait3A_133] : memref<32x88x64xf32, #tpu.memory_space<hbm>> -> memref<1x88x64xf32, #tpu.memory_space<hbm>>
      %dma_wait3A_135 = tpu.memref_squeeze %dma_wait3A_134 : memref<1x88x64xf32, #tpu.memory_space<hbm>> -> memref<88x64xf32, #tpu.memory_space<hbm>>
      %dma_wait3A_136 = arith.constant 0 : i32
      %dma_wait3A_137 = arith.constant 0 : i32
      %dma_wait3A_138 = tpu.memref_slice %dma_wait3A_135[%dma_wait3A_136, %dma_wait3A_137] : memref<88x64xf32, #tpu.memory_space<hbm>> -> memref<88x64xf32, #tpu.memory_space<hbm>>
      tpu.wait_indirect_dma semaphore(%arg11 : memref<!tpu.dma_semaphore, #tpu.memory_space<semaphore_mem>>) src(%dma_wait3A_138 : memref<88x64xf32, #tpu.memory_space<hbm>>) dst(%arg7 : memref<128x64xf32, #tpu.memory_space<vmem>>)
      %mul3A_139 = arith.constant 128 : i32
      %mul3A_140 = arith.muli %add3A_128, %mul3A_139 : i32
      %add3A_141 = arith.addi %sub3A_21, %mul3A_140 : i32
      %dma_start3A_142 = tpu.memref_slice %arg4[%add3A_141, %mul3A_23] : memref<524288x128xf32, #tpu.memory_space<hbm>> -> memref<128x64xf32, #tpu.memory_space<hbm>>
      %dma_start3A_143 = tpu.memref_slice %arg4[%add3A_141, %mul3A_23] : memref<524288x128xf32, #tpu.memory_space<hbm>> -> memref<128x64xf32, #tpu.memory_space<hbm>>
      tpu.enqueue_dma source(%arg7 : memref<128x64xf32, #tpu.memory_space<vmem>>) target(%dma_start3A_143 : memref<128x64xf32, #tpu.memory_space<hbm>>) target_semaphore(%arg15 : memref<!tpu.dma_semaphore, #tpu.memory_space<semaphore_mem>>)
      %add3A_144 = arith.constant 2 : i32
      %add3A_145 = arith.addi %mul3A_45, %add3A_144 : i32
      %mul3A_146 = arith.constant 128 : i32
      %mul3A_147 = arith.muli %add3A_145, %mul3A_146 : i32
      %dma_wait3A_148 = tpu.memref_slice %arg5[%mul3A_147] : memref<32768xi32, #tpu.memory_space<vmem>> -> memref<128xi32, #tpu.memory_space<vmem>>
      %dma_wait3A_149 = arith.constant 0 : i32
      %dma_wait3A_150 = arith.constant 0 : i32
      %dma_wait3A_151 = tpu.memref_slice %arg3[%add3A, %dma_wait3A_149, %dma_wait3A_150] : memref<32x88x64xf32, #tpu.memory_space<hbm>> -> memref<1x88x64xf32, #tpu.memory_space<hbm>>
      %dma_wait3A_152 = tpu.memref_squeeze %dma_wait3A_151 : memref<1x88x64xf32, #tpu.memory_space<hbm>> -> memref<88x64xf32, #tpu.memory_space<hbm>>
      %dma_wait3A_153 = arith.constant 0 : i32
      %dma_wait3A_154 = arith.constant 0 : i32
      %dma_wait3A_155 = tpu.memref_slice %dma_wait3A_152[%dma_wait3A_153, %dma_wait3A_154] : memref<88x64xf32, #tpu.memory_space<hbm>> -> memref<88x64xf32, #tpu.memory_space<hbm>>
      tpu.wait_indirect_dma semaphore(%arg12 : memref<!tpu.dma_semaphore, #tpu.memory_space<semaphore_mem>>) src(%dma_wait3A_155 : memref<88x64xf32, #tpu.memory_space<hbm>>) dst(%arg8 : memref<128x64xf32, #tpu.memory_space<vmem>>)
      %mul3A_156 = arith.constant 128 : i32
      %mul3A_157 = arith.muli %add3A_145, %mul3A_156 : i32
      %add3A_158 = arith.addi %sub3A_21, %mul3A_157 : i32
      %dma_start3A_159 = tpu.memref_slice %arg4[%add3A_158, %mul3A_23] : memref<524288x128xf32, #tpu.memory_space<hbm>> -> memref<128x64xf32, #tpu.memory_space<hbm>>
      %dma_start3A_160 = tpu.memref_slice %arg4[%add3A_158, %mul3A_23] : memref<524288x128xf32, #tpu.memory_space<hbm>> -> memref<128x64xf32, #tpu.memory_space<hbm>>
      tpu.enqueue_dma source(%arg8 : memref<128x64xf32, #tpu.memory_space<vmem>>) target(%dma_start3A_160 : memref<128x64xf32, #tpu.memory_space<hbm>>) target_semaphore(%arg16 : memref<!tpu.dma_semaphore, #tpu.memory_space<semaphore_mem>>)
      %add3A_161 = arith.constant 3 : i32
      %add3A_162 = arith.addi %mul3A_45, %add3A_161 : i32
      %mul3A_163 = arith.constant 128 : i32
      %mul3A_164 = arith.muli %add3A_162, %mul3A_163 : i32
      %dma_wait3A_165 = tpu.memref_slice %arg5[%mul3A_164] : memref<32768xi32, #tpu.memory_space<vmem>> -> memref<128xi32, #tpu.memory_space<vmem>>
      %dma_wait3A_166 = arith.constant 0 : i32
      %dma_wait3A_167 = arith.constant 0 : i32
      %dma_wait3A_168 = tpu.memref_slice %arg3[%add3A, %dma_wait3A_166, %dma_wait3A_167] : memref<32x88x64xf32, #tpu.memory_space<hbm>> -> memref<1x88x64xf32, #tpu.memory_space<hbm>>
      %dma_wait3A_169 = tpu.memref_squeeze %dma_wait3A_168 : memref<1x88x64xf32, #tpu.memory_space<hbm>> -> memref<88x64xf32, #tpu.memory_space<hbm>>
      %dma_wait3A_170 = arith.constant 0 : i32
      %dma_wait3A_171 = arith.constant 0 : i32
      %dma_wait3A_172 = tpu.memref_slice %dma_wait3A_169[%dma_wait3A_170, %dma_wait3A_171] : memref<88x64xf32, #tpu.memory_space<hbm>> -> memref<88x64xf32, #tpu.memory_space<hbm>>
      tpu.wait_indirect_dma semaphore(%arg13 : memref<!tpu.dma_semaphore, #tpu.memory_space<semaphore_mem>>) src(%dma_wait3A_172 : memref<88x64xf32, #tpu.memory_space<hbm>>) dst(%arg9 : memref<128x64xf32, #tpu.memory_space<vmem>>)
      %mul3A_173 = arith.constant 128 : i32
      %mul3A_174 = arith.muli %add3A_162, %mul3A_173 : i32
      %add3A_175 = arith.addi %sub3A_21, %mul3A_174 : i32
      %dma_start3A_176 = tpu.memref_slice %arg4[%add3A_175, %mul3A_23] : memref<524288x128xf32, #tpu.memory_space<hbm>> -> memref<128x64xf32, #tpu.memory_space<hbm>>
      %dma_start3A_177 = tpu.memref_slice %arg4[%add3A_175, %mul3A_23] : memref<524288x128xf32, #tpu.memory_space<hbm>> -> memref<128x64xf32, #tpu.memory_space<hbm>>
      tpu.enqueue_dma source(%arg9 : memref<128x64xf32, #tpu.memory_space<vmem>>) target(%dma_start3A_177 : memref<128x64xf32, #tpu.memory_space<hbm>>) target_semaphore(%arg17 : memref<!tpu.dma_semaphore, #tpu.memory_space<semaphore_mem>>)
    }
    %scan3A_27 = arith.constant 64 : i32
    %add3A_28 = arith.constant 32256 : i32
    %add3A_29 = arith.addi %sub3A_21, %add3A_28 : i32
    %dma_wait3A = tpu.memref_slice %arg4[%add3A_29, %mul3A_23] : memref<524288x128xf32, #tpu.memory_space<hbm>> -> memref<128x64xf32, #tpu.memory_space<hbm>>
    %dma_wait3A_30 = tpu.memref_slice %arg4[%add3A_29, %mul3A_23] : memref<524288x128xf32, #tpu.memory_space<hbm>> -> memref<128x64xf32, #tpu.memory_space<hbm>>
    tpu.wait_dma2 semaphore(%arg14 : memref<!tpu.dma_semaphore, #tpu.memory_space<semaphore_mem>>) src(%arg6 : memref<128x64xf32, #tpu.memory_space<vmem>>) dst(%dma_wait3A_30 : memref<128x64xf32, #tpu.memory_space<hbm>>)
    %add3A_31 = arith.constant 32384 : i32
    %add3A_32 = arith.addi %sub3A_21, %add3A_31 : i32
    %dma_wait3A_33 = tpu.memref_slice %arg4[%add3A_32, %mul3A_23] : memref<524288x128xf32, #tpu.memory_space<hbm>> -> memref<128x64xf32, #tpu.memory_space<hbm>>
    %dma_wait3A_34 = tpu.memref_slice %arg4[%add3A_32, %mul3A_23] : memref<524288x128xf32, #tpu.memory_space<hbm>> -> memref<128x64xf32, #tpu.memory_space<hbm>>
    tpu.wait_dma2 semaphore(%arg15 : memref<!tpu.dma_semaphore, #tpu.memory_space<semaphore_mem>>) src(%arg7 : memref<128x64xf32, #tpu.memory_space<vmem>>) dst(%dma_wait3A_34 : memref<128x64xf32, #tpu.memory_space<hbm>>)
    %add3A_35 = arith.constant 32512 : i32
    %add3A_36 = arith.addi %sub3A_21, %add3A_35 : i32
    %dma_wait3A_37 = tpu.memref_slice %arg4[%add3A_36, %mul3A_23] : memref<524288x128xf32, #tpu.memory_space<hbm>> -> memref<128x64xf32, #tpu.memory_space<hbm>>
    %dma_wait3A_38 = tpu.memref_slice %arg4[%add3A_36, %mul3A_23] : memref<524288x128xf32, #tpu.memory_space<hbm>> -> memref<128x64xf32, #tpu.memory_space<hbm>>
    tpu.wait_dma2 semaphore(%arg16 : memref<!tpu.dma_semaphore, #tpu.memory_space<semaphore_mem>>) src(%arg8 : memref<128x64xf32, #tpu.memory_space<vmem>>) dst(%dma_wait3A_38 : memref<128x64xf32, #tpu.memory_space<hbm>>)
    %add3A_39 = arith.constant 32640 : i32
    %add3A_40 = arith.addi %sub3A_21, %add3A_39 : i32
    %dma_wait3A_41 = tpu.memref_slice %arg4[%add3A_40, %mul3A_23] : memref<524288x128xf32, #tpu.memory_space<hbm>> -> memref<128x64xf32, #tpu.memory_space<hbm>>
    %dma_wait3A_42 = tpu.memref_slice %arg4[%add3A_40, %mul3A_23] : memref<524288x128xf32, #tpu.memory_space<hbm>> -> memref<128x64xf32, #tpu.memory_space<hbm>>
    tpu.wait_dma2 semaphore(%arg17 : memref<!tpu.dma_semaphore, #tpu.memory_space<semaphore_mem>>) src(%arg9 : memref<128x64xf32, #tpu.memory_space<vmem>>) dst(%dma_wait3A_42 : memref<128x64xf32, #tpu.memory_space<hbm>>)
    return
  }
}

module attributes {stable_mosaic.version = 14 : i64} {
  func.func @body(%arg0: i32, %arg1: memref<512x128xf32, #tpu.memory_space<vmem>>, %arg2: memref<128x128xf32, #tpu.memory_space<vmem>>, %arg3: memref<128x512xf32, #tpu.memory_space<vmem>>) attributes {dimension_semantics = [#tpu.dimension_semantics<arbitrary>], iteration_bounds = array<i64: 1024>, scalar_prefetch = 0 : i64, scratch_operands = 0 : i64, tpu.core_type = #tpu.core_type<tc>, window_params = [{transform_indices = @transform_0, window_bounds = array<i64: 512, 128>}, {pipeline_mode = #tpu.pipeline_mode<synchronous>, transform_indices = @transform_1, window_bounds = array<i64: 128, 128>}, {transform_indices = @transform_2, window_bounds = array<i64: 128, 512>}]} {
    %get3A = arith.constant 0 : index
    %get3A_0 = arith.constant 0 : index
    %get3A_1 = vector.load %arg2[%get3A, %get3A_0] : memref<128x128xf32, #tpu.memory_space<vmem>>, vector<128x128xf32>
    %get3A_2 = arith.constant 0 : index
    %get3A_3 = arith.constant 0 : index
    %get3A_4 = vector.load %arg1[%get3A_2, %get3A_3] : memref<512x128xf32, #tpu.memory_space<vmem>>, vector<512x128xf32>
    %dot_general3A = arith.constant dense<0.000000e+00> : vector<128x512xf32>
    %dot_general3A_5 = tpu.matmul %get3A_1, %get3A_4, %dot_general3A {dimension_numbers = #tpu.dot_dimension_numbers<[1], [1], [0], [0], [0, 0, 1, 0], [], []>, transpose_lhs_hint = false} : vector<128x128xf32>, vector<512x128xf32>, vector<128x512xf32> -> vector<128x512xf32>
    %swap3A = arith.constant 0 : index
    %swap3A_6 = arith.constant 0 : index
    %swap3A_7 = vector.load %arg3[%swap3A, %swap3A_6] : memref<128x512xf32, #tpu.memory_space<vmem>>, vector<128x512xf32>
    tpu.vector_store %arg3[%swap3A, %swap3A_6], %dot_general3A_5 {strides = array<i32>} : memref<128x512xf32, #tpu.memory_space<vmem>>, vector<128x512xf32>,
    return
  }
  func.func @transform_0(%arg0: i32) -> (i32, i32) {
    %c0_i32 = arith.constant 0 : i32
    %c0_i32_0 = arith.constant 0 : i32
    return %arg0, %c0_i32 : i32, i32
  }
  func.func @transform_1(%arg0: i32) -> (i32, i32) {
    %c0_i32 = arith.constant 0 : i32
    %c0_i32_0 = arith.constant 0 : i32
    %c0_i32_1 = arith.constant 0 : i32
    return %c0_i32, %c0_i32_0 : i32, i32
  }
  func.func @transform_2(%arg0: i32) -> (i32, i32) {
    %c0_i32 = arith.constant 0 : i32
    %c0_i32_0 = arith.constant 0 : i32
    return %c0_i32, %arg0 : i32, i32
  }
}

</mosaic_0001>

<sc_bundles>
// kernel: kernel.4.cloned.1.call-start
scs
__scs_entry_jumppad:
0x0: {  	(pc) =	sbr.rel $0x88, $3  }
0x1: {  	(tag) =	ssettag $0x0;
	lr =	simm.s32 $0x1  }
0x2: {  	[smem:$0x3F9F] =	sst lr;
	_ =	strace $0xD0000000  }
0x3: {  	_ = 	snop  }
0x4: {  	_ = 	snop  }
0x5: {  	_ = 	snop  }
0x6: {  	_ = 	snop  }
0x7: {  	_ = 	snop  }
__scs_overlays_trampoline_lowered:
0x8: {  	[smem:$0x3FAE] =	sst s0  }
0x9: {  	[smem:$0x3FAF] =	sst s1  }
0xa: {  	[smem:$0x3FB0] =	sst s2  }
0xb: {  	[smem:$0x3FB1] =	sst s3  }
0xc: {  	[smem:$0x3FB2] =	sst s4  }
0xd: {  	[smem:$0x3FB3] =	sst s5  }
0xe: {  	[smem:$0x3FB4] =	sst s6  }
0xf: {  	[smem:$0x3FB5] =	sst s7  }
0x10: {  	[smem:$0x3FB6] =	sst s8  }
0x11: {  	[smem:$0x3FB7] =	sst s9;
	s0 =	simm.s32 @!p0 $0x0  }
0x12: {  	s1 =	sld [smem:$0x3F9D];
	s0 =	simm.s32 @p0 $0x1  }
0x13: {  	[smem:$0x3FB8] =	sst s0;
	s0 =	simm.s32 @!p1 $0x0  }
0x14: {  	s2 =	sld [smem:$0x3F9C];
	s0 =	simm.s32 @p1 $0x1  }
0x15: {  	[smem:$0x3FB9] =	sst s0;
	s0 =	simm.s32 @!p2 $0x0  }
0x16: {  	s3 =	sld [smem:$0x3FDB];
	s0 =	simm.s32 @p2 $0x1  }
0x17: {  	s4 =	simm.s32 $0x1BF5;
	[smem:$0x3FBB] =	sst s0  }
0x18: {  	s0 =	sld [smem:$0x3F9E];
	_ =	swait.ge [sflag:s4], $0x0  }
0x19: {  	s7 =	sld [smem:$0x3F9F]  }
0x1a: {  	s8 =	sadd.s32 $0xFFFFE003, lr  }
0x1b: {  	s9 =	sadd.s32 $0xFFFFFEF7, lr;
	s5 =	simm.s32 $0xFFFFFFFF;
	p2 =	slt.u32 s8, $0xFFFFF086  }
0x1c: {  	p1 =	slt.u32 s9, $0xF7A;
	s5 =	simm.s32 @!p2 $0x0  }
0x1d: {  	s5 =	simm.s32 @p1 $0x1;
	p0 =	seq.s32 s7, s2  }
0x1e: {  	s7 =	smul.u32 @!p0 $0xF7A, s2;
	p2 =	seq.s32 @!p0 s5, $0x0  }
0x1f: {  	s9 =	smul.u32 $0xF7A, s1;
	s8 =	simm.s32 @!p0 $0x1BF5;
	p2 =	por !p2, p0  }
0x20: {  	[sflag:s8] =	ssyncset.s32 @!p0 $0xFFFFF086;
	s6 =	sadd.s32 @!p0 s3, s7;
	s7 =	simm.s32 @!p0 $0x108  }
0x21: {  	s3 =	sadd.s32 s3, s9;
	s6 =	sadd.s32 @!p0 $0x88, s6;
	s7 =	simm.s32 @p2 $0x1082  }
0x22: {  	[simem:s7], [sflag:s8] =	dma.local @!p0 [hbm:s6], $0xF7A  }
0x23: {  	s9 =	sor.u32 $0xD0000000, s2;
	s6 =	simm.s32 $0x108;
	_ =	swait.ge @!p0 [sflag:s8], $0x0  }
0x24: {  	s3 =	sadd.s32 $0x88, s3;
	s6 =	simm.s32 @!p1 $0x1082;
	[sflag:s4] =	ssyncset.s32 $0xFFFFF086  }
0x25: {  	[simem:s6], [sflag:s4] =	dma.local [hbm:s3], $0xF7A  }
0x26: {  	[smem:$0x3F9F] =	sst s1;
	(tag) =	ssettag s2;
	_ =	strace s9  }
0x27: {  	s1 =	sld [smem:$0x3FAF]  }
0x28: {  	s2 =	sld [smem:$0x3FB0]  }
0x29: {  	s4 =	sld [smem:$0x3FB2]  }
0x2a: {  	p0 =	seq.s32 s5, $0x0;
	s5 =	sld [smem:$0x3FB3]  }
0x2b: {  	s6 =	sld [smem:$0x3FB4]  }
0x2c: {  	s7 =	sld [smem:$0x3FB5]  }
0x2d: {  	s3 =	simm.s32 $0x108;
	s8 =	sld [smem:$0x3FB6]  }
0x2e: {  	s3 =	simm.s32 @!p0 $0x1082;
	s9 =	sld [smem:$0x3FB7]  }
0x2f: {  	lr =	sadd.s32 s0, s3;
	s0 =	sld [smem:$0x3FAE]  }
0x30: {  	s3 =	sld [smem:$0x3FB1]  }
0x31: {  	[smem:$0x3FBA] =	sst s10  }
0x32: {  	s10 =	sld [smem:$0x3FB8];
	_ =	sdelay $0x3  }
0x33: {  	p0 =	seq.s32 s10, $0x1;
	s10 =	sld [smem:$0x3FBA];
	_ =	sdelay $0x3  }
0x34: {  	[smem:$0x3FBA] =	sst s10  }
0x35: {  	s10 =	sld [smem:$0x3FB9];
	_ =	sdelay $0x3  }
0x36: {  	p1 =	seq.s32 s10, $0x1;
	s10 =	sld [smem:$0x3FBA];
	_ =	sdelay $0x3  }
0x37: {  	[smem:$0x3FBA] =	sst s10  }
0x38: {  	s10 =	sld [smem:$0x3FBB]  }
0x39: {  	_ = 	snop;
	(pc) =	sbr.ind lr, $3  }
0x3a: {  	_ = 	snop  }
0x3b: {  	_ = 	snop  }
0x3c: {  	p2 =	seq.s32 s10, $0x1;
	s10 =	sld [smem:$0x3FBA]  }
0x3d: {  	_ =	shalt  }
0x3e: {  	_ =	shalt  }
0x3f: {  	_ =	shalt  }
0x40: {  	_ =	shalt  }
0x41: {  	_ =	shalt  }
0x42: {  	_ =	shalt  }
0x43: {  	_ =	shalt  }
0x44: {  	_ =	shalt  }
0x45: {  	_ =	shalt  }
0x46: {  	_ =	shalt  }
0x47: {  	_ =	shalt  }
0x48: {  	_ =	shalt  }
0x49: {  	_ =	shalt  }
0x4a: {  	_ =	shalt  }
0x4b: {  	_ =	shalt  }
0x4c: {  	_ =	shalt  }
0x4d: {  	_ =	shalt  }
0x4e: {  	_ =	shalt  }
0x4f: {  	_ =	shalt  }
0x50: {  	_ =	shalt  }
0x51: {  	_ =	shalt  }
0x52: {  	_ =	shalt  }
0x53: {  	_ =	shalt  }
0x54: {  	_ =	shalt  }
0x55: {  	_ =	shalt  }
0x56: {  	_ =	shalt  }
0x57: {  	_ =	shalt  }
0x58: {  	_ =	shalt  }
0x59: {  	_ =	shalt  }
0x5a: {  	_ =	shalt  }
0x5b: {  	_ =	shalt  }
0x5c: {  	_ =	shalt  }
0x5d: {  	_ =	shalt  }
0x5e: {  	_ =	shalt  }
0x5f: {  	_ =	shalt  }
0x60: {  	_ =	shalt  }
0x61: {  	_ =	shalt  }
0x62: {  	_ =	shalt  }
0x63: {  	_ =	shalt  }
0x64: {  	_ =	shalt  }
0x65: {  	_ =	shalt  }
0x66: {  	_ =	shalt  }
0x67: {  	_ =	shalt  }
0x68: {  	_ =	shalt  }
0x69: {  	_ =	shalt  }
0x6a: {  	_ =	shalt  }
0x6b: {  	_ =	shalt  }
0x6c: {  	_ =	shalt  }
0x6d: {  	_ =	shalt  }
0x6e: {  	_ =	shalt  }
0x6f: {  	_ =	shalt  }
0x70: {  	_ =	shalt  }
0x71: {  	_ =	shalt  }
0x72: {  	_ =	shalt  }
0x73: {  	_ =	shalt  }
0x74: {  	_ =	shalt  }
0x75: {  	_ =	shalt  }
0x76: {  	_ =	shalt  }
0x77: {  	_ =	shalt  }
0x78: {  	_ =	shalt  }
0x79: {  	_ =	shalt  }
0x7a: {  	_ =	shalt  }
0x7b: {  	_ =	shalt  }
0x7c: {  	_ =	shalt  }
0x7d: {  	_ =	shalt  }
0x7e: {  	_ =	shalt  }
0x7f: {  	_ =	shalt  }
0x80: {  	_ =	shalt  }
0x81: {  	_ =	shalt  }
0x82: {  	_ =	shalt  }
0x83: {  	_ =	shalt  }
0x84: {  	_ =	shalt  }
0x85: {  	_ =	shalt  }
0x86: {  	_ =	shalt  }
0x87: {  	_ =	shalt  }
.Lfunc_end0:
.L_simem_size_0:
called_computation_lowered:
.L_overlay_start_0:
0x88: {  	s2 =	sld [smem:$0x3FD9]  }
0x89: {  	s3 =	sld [smem:$0x3FFE];
	_ =	sdelay $0x1  }
0x8a: {  	s1 =	srdreg.scid  }
0x8b: {  	s0 =	sand.u32 $0x1, s1  }
0x8c: {  	s17 =	sshll.u32 s0, $0xA;
	s2 =	sadd.s32 s3, s2  }
0x8d: {  	s2 =	sadd.s32 s2, s17  }
0x8e: {  	[smem:$0x3FC6] =	sst s2  }
0x8f: {  	_ = 	snop  }
0x90: {  	s2 =	sld [smem:$0x3FC9]  }
0x91: {  	s18 =	sld [smem:$0x3FD0];
	(tm) =	ssettm $0x1  }
0x92: {  	s4 =	sld [smem:$0x3FFB];
	_ =	sdelay $0x3  }
0x93: {  	_ =	strace s4  }
0x94: {  	s4 =	sld [smem:$0x3FFC];
	_ =	sdelay $0x3  }
0x95: {  	_ =	strace s4  }
0x96: {  	s4 =	sld [smem:$0x3FFD];
	_ =	sdelay $0x3  }
0x97: {  	_ =	strace s4  }
0x98: {  	_ =	strace $0x8FFFFFFF  }
0x99: {  	s19 =	sld [smem:$0x3FDB];
	_ =	sdelay $0x1  }
0x9a: {  	s5 =	simm.s32 $_scs_section_size  }
0x9b: {  	s6 =	simm.s32 $_size__tile_overlayer_lowered;
	s7 =	simm.s32 $_tile_overlayer_lowered  }
0x9c: {  	s22 =	simm.s32 $0x1BFF;
	s21 =	sshll.u32 s7, $0x1;
	s4 =	sadd.s32 s5, s19  }
0x9d: {  	s8 =	simm.s32 $0x0;
	s20 =	sshll.u32 s6, $0x1;
	s6 =	sadd.s32 s21, s4  }
0x9e: {  	[timem:s8], [sflag:s22] =	dma.local [hbm:s6], s20  }
0x9f: {  	_ =	swait.ge [sflag:s22], s20  }
0xa0: {  	s5 =	ssub.s32 $0x0, s20;
	[sflag:s22] =	ssyncset.done $0x0  }
0xa1: {  	[sflag:s22] =	ssyncadd.s32 s5;
	_ =	sdelay $0x1  }
0xa2: {  	s23 =	simm.s32 $0x1B8B  }
0xa3: {  	_ =	swait.ge [sflag:s23], $0x1  }
0xa4: {  	[sflag:s23] =	ssyncset.done $0x0  }
0xa5: {  	s25 =	simm.s32 $0x1B8E;
	s24 =	sld [smem:$0x3FFE];
	[sflag:s23] =	ssyncadd.s32 $0xFFFFFFFF  }
0xa6: {  	s26 =	simm.s32 $execute0_lowered;
	[smem:$0x3FD2] =	sst s25  }
0xa7: {  	s6 =	sshll.u32 s26, $0x1;
	_ =	strace $0x80000046;
	[dreg:$0x1] =	wrdreg $0xFFFFFFFF  }
0xa8: {  	s28 =	simm.s32 $_size_execute0_lowered;
	s4 =	sadd.s32 s4, s6;
	[dreg:$0x0] =	wrdreg $0x0  }
0xa9: {  	s6 =	sshll.u32 s28, $0x1;
	[dreg:$0x2] =	wrdreg s4  }
0xaa: {  	[dreg:$0x3] =	wrdreg s6  }
0xab: {  	[dreg:$0x4] =	wrdreg $0xC0  }
0xac: {  	_ =	task [dreg:s8], $0x5FFFF  }
0xad: {  	[dreg:$0x1] =	wrdreg $0xFFFFFFFF  }
0xae: {  	[dreg:$0x0] =	wrdreg $0x60  }
0xaf: {  	[dreg:$0x2] =	wrdreg s2  }
0xb0: {  	[dreg:$0x3] =	wrdreg s18  }
0xb1: {  	[dreg:$0x4] =	wrdreg s24  }
0xb2: {  	[dreg:$0x5] =	wrdreg $0x9  }
0xb3: {  	_ =	task.clear_ibuf [dreg:s8], $0x6FFFF;
	_ =	strace $0x90000046  }
0xb4: {  	s29 =	simm.s32 $0x9;
	_ =	strace $0x80000048  }
0xb5: {  	_ =	swait.ge [sflag:s29], $0x1  }
0xb6: {  	[sflag:s29] =	ssyncadd.s32 $0xFFFFFFFF  }
0xb7: {  	_ =	strace $0x90000048  }
0xb8: {  	_ =	sfence  }
0xb9: {  	s30 =	sld [smem:$0x0];
	_ =	sdelay $0x2  }
0xba: {  	s31 =	sshll.u32 s1, $0xD;
	s1 =	sshrl.u32 s1, $0x2  }
0xbb: {  	s3 =	sand.u32 $0x4000, s31;
	s1 =	sadd.s32 s1, s30  }
0xbc: {  	s0 =	sor.u32 s3, s0;
	s1 =	sshll.u32 s1, $0x11  }
0xbd: {  	s0 =	sor.u32 s1, s0  }
0xbe: {  	s0 =	sadd.s32 $0x8F2B, s0  }
0xbf: {  	[sflag:s0] =	ssyncadd.remote.s32 $0x1  }
0xc0: {  	_ =	sfence.sel $0xFFFF  }
0xc1: {  	[dreg:$0x0] =	wrdreg $0xFFFFFFFF;
	(pc) =	sbr.abs _section_cstart, $3  }
0xc2: {  	[dreg:$0x1] =	wrdreg $0xFFFFFFFF  }
0xc3: {  	_ =	task.clear_ibuf [dreg:s8], $0x2FFFF;
	_ =	strace $0x9FFFFFFF  }
0xc4: {  	(tm) =	ssettm $0x7FFFFFFF  }
0xc5: {  	_ =	shalt  }
tec
execute0_lowered:
.L_overlay_start_1:
0x0: {  	(tag) =	ssettag $0x1  }
0x1: {  	s4 =	rddreg [dreg:$0x0]  }
0x2: {  	s6 =	rddreg [dreg:$0x1]  }
0x3: {  	s3 =	rddreg [dreg:$0x2];
	s1 =	srdreg.scid  }
0x4: {  	s0 =	simm.s32 $0x0;
	s26 =	stileid.u32;
	s16 =	simm.s32 $0xA000  }
0x5: {  	s15 =	simm.s32 $0x40;
	s18 =	simm.s32 $0xC000;
	s17 =	simm.s32 $0x3  }
0x6: {  	s19 =	simm.s32 $0x5;
	s20 =	simm.s32 $0x6;
	s21 =	simm.s32 $0x7  }
0x7: {  	s22 =	simm.s32 $0x8;
	s23 =	simm.s32 $0x0;
	s5 =	sand.u32 $0x1, s1  }
0x8: {  	[smem:$0x7FF] =	sst s0;
	s9 =	sshll.u32 s26, $0x1;
	s3 =	sadd.s32 $0x400, s3  }
0x9: {  	s11 =	sshrl.u32 s26, $0x3;
	s12 =	sshll.u32 s26, $0x17;
	s7 =	ssub.s32 $0x2, s5  }
0xa: {  	_ =	strace $0x80000047;
	s28 =	sor.u32 s5, s9;
	s30 =	sshll.u32 s11, $0x13  }
0xb: {  	s13 =	sshll.u32 s5, $0x16;
	s14 =	smul.u32 $0x3FFFFC0, s11;
	[dreg:$0x4] =	wrdreg s16  }
0xc: {  	s16 =	simm.s32 $0x2;
	[dreg:$0x5] =	wrdreg s18;
	s18 =	simm.s32 $0x4  }
0xd: {  	s8 =	sshrl.u32 s7, $0x1;
	s9 =	sshll.u32 s28, $0xF;
	s10 =	sshll.u32 s28, $0xC  }
0xe: {  	s31 =	sor.u32 s13, s12;
	s12 =	simm.s32 $0x8000;
	s13 =	simm.s32 $0xE000  }
0xf: {  	s8 =	ssub.s32 s7, s8;
	s29 =	sadd.s32 s4, s10;
	s7 =	smul.u32 $0x2C0, s28  }
0x10: {  	s5 =	ssub.s32 s9, s30;
	s9 =	ssub.s32 s31, s14;
	s10 =	simm.s32 $0x9  }
0x11: {  	s14 =	simm.s32 $0x1;
	[dreg:$0x6] =	wrdreg s29;
	s8 =	smax.u32 s8, $0x1  }
0x12: {  	s6 =	sadd.s32 s6, s7;
	s7 =	sshll.u32 s11, $0x6;
	s11 =	simm.s32 $0x80  }
.LBB2_1:
0x13: {  	s0 =	simm.s32 $0x0;
	s1 =	rddreg [dreg:$0x6]  }
0x14: {  	[tilespmem:s0], [sflag:$0x9] =	stream.linear.gather [hbm4b:s1+s0], $0x8000, $0x38;
	[tilespmem:$0x10000] =	vst v63  }
0x15: {  	_ =	swait.ge [sflag:s10], $0x8000  }
0x16: {  	p1 =	por $0x1, $0x1;
	[sflag:s10] =	ssyncset.done $0x0  }
0x17: {  	s24 =	simm.s32 @!p1 $0x5;
	[sflag:s10] =	ssyncadd.s32 $0xFFFF8000  }
0x18: {  	_ =	swait.ge @!p1 [sflag:s24], $0x2000  }
0x19: {  	p0 =	por $0x0, $0x0;
	[sflag:s24] =	ssyncset.done @!p1 $0x0  }
0x1a: {  	s25 =	simm.s32 $0x0;
	[sflag:s24] =	ssyncadd.s32 @!p1 $0xFFFFE000;
	s24 =	simm.s32 @p0 $0x6  }
0x1b: {  	[tilespmem:s12], [sflag:$0x1] =	stream.indirect.gather [hbm4b:s6+s11], $0x40, s25, s11, $0xb8;
	[tilespmem:$0x10000] =	vst v63  }
0x1c: {  	_ =	swait.ge @p0 [sflag:s24], $0x2000  }
0x1d: {  	s26 =	simm.s32 @p0 $0x80;
	s28 =	simm.s32 @p0 $0x80;
	[sflag:s24] =	ssyncset.done @p0 $0x0  }
0x1e: {  	s25 =	simm.s32 @p0 $0xA000;
	[sflag:s24] =	ssyncadd.s32 @p0 $0xFFFFE000;
	s24 =	simm.s32 @p0 $0x7  }
0x1f: {  	[tilespmem:s25], [sflag:$0x2] =	stream.indirect.gather @p0 [hbm4b:s6+s28], $0x40, s26, s28, $0xb8;
	[tilespmem:$0x10000] =	vst v63  }
0x20: {  	_ =	swait.ge @p0 [sflag:s24], $0x2000  }
0x21: {  	s25 =	simm.s32 $0x100;
	[sflag:s24] =	ssyncset.done @p0 $0x0  }
0x22: {  	s26 =	simm.s32 @p0 $0xC000;
	[sflag:s24] =	ssyncadd.s32 @p0 $0xFFFFE000;
	s24 =	simm.s32 @p0 $0x8  }
0x23: {  	[tilespmem:s26], [sflag:$0x3] =	stream.indirect.gather @p0 [hbm4b:s6+s28], $0x40, s25, s28, $0xb8;
	[tilespmem:$0x10000] =	vst v63  }
0x24: {  	_ =	swait.ge @p0 [sflag:s24], $0x2000  }
0x25: {  	[sflag:s24] =	ssyncset.done @p0 $0x0  }
0x26: {  	s25 =	simm.s32 @!p0 $0x80;
	s26 =	simm.s32 @!p0 $0xA000;
	[sflag:s24] =	ssyncadd.s32 @p0 $0xFFFFE000  }
0x27: {  	[tilespmem:s26], [sflag:$0x2] =	stream.indirect.gather @!p0 [hbm4b:s6+s25], $0x40, s25, s25, $0xb8;
	[tilespmem:$0x10000] =	vst v63  }
0x28: {  	s28 =	simm.s32 @!p0 $0xC000;
	s24 =	simm.s32 @!p0 $0x100  }
0x29: {  	[tilespmem:s28], [sflag:$0x3] =	stream.indirect.gather @!p0 [hbm4b:s6+s25], $0x40, s24, s25, $0xb8;
	[tilespmem:$0x10000] =	vst v63  }
0x2a: {  	s31 =	sshrl.u32 s9, $0x3;
	s26 =	simm.s32 $0x180;
	s24 =	simm.s32 @p0 $0x80  }
0x2b: {  	p2 =	por $0x0, $0x0;
	s26 =	simm.s32 @!p0 $0x180;
	s24 =	simm.s32 @!p0 $0x80  }
0x2c: {  	[tilespmem:s13], [sflag:$0x4] =	stream.indirect.gather [hbm4b:s6+s11], $0x40, s26, s11, $0xb8;
	[tilespmem:$0x10000] =	vst v63  }
0x2d: {  	s25 =	sadd.s32 s3, s31;
	s24 =	sadd.s32 s5, s24;
	_ =	swait.ge [sflag:s14], $0x2000  }
0x2e: {  	s26 =	sadd.s32 s5, s26;
	s24 =	sshll.u32 s24, $0x7;
	[sflag:s14] =	ssyncset.done $0x0  }
0x2f: {  	s26 =	sshll.u32 s26, $0x7;
	s24 =	sor.u32 s7, s24;
	[sflag:s14] =	ssyncadd.s32 $0xFFFFE000  }
0x30: {  	[hbm4b:s25+s15] =	stream.strided.scatter [tilespmem:s12], [sflag:$0x5], $0x2000, s11, s15, $0x38;
	[tilespmem:$0x10000] =	vst v63  }
0x31: {  	s26 =	sor.u32 s7, s26;
	s24 =	sshrl.u32 s24, $0x3;
	s25 =	simm.s32 @p0 $0x100  }
0x32: {  	s30 =	sshrl.u32 s26, $0x3;
	_ =	swait.ge [sflag:s16], $0x2000;
	s25 =	simm.s32 @!p0 $0x100  }
0x33: {  	s24 =	sadd.s32 s3, s24;
	[sflag:s16] =	ssyncset.done $0x0;
	s25 =	sadd.s32 s5, s25  }
0x34: {  	s28 =	rddreg [dreg:$0x4];
	[sflag:s16] =	ssyncadd.s32 $0xFFFFE000;
	s25 =	sshll.u32 s25, $0x7  }
0x35: {  	[hbm4b:s24+s15] =	stream.strided.scatter [tilespmem:s28], [sflag:$0x6], $0x2000, s11, s15, $0x38;
	[tilespmem:$0x10000] =	vst v63  }
0x36: {  	s26 =	simm.s32 $0x300;
	s25 =	sor.u32 s7, s25;
	_ =	swait.ge [sflag:s17], $0x2000  }
0x37: {  	s24 =	simm.s32 $0x380;
	s25 =	sshrl.u32 s25, $0x3;
	[sflag:s17] =	ssyncset.done $0x0  }
0x38: {  	s28 =	rddreg [dreg:$0x5];
	s25 =	sadd.s32 s3, s25;
	[sflag:s17] =	ssyncadd.s32 $0xFFFFE000  }
0x39: {  	[hbm4b:s25+s15] =	stream.strided.scatter [tilespmem:s28], [sflag:$0x7], $0x2000, s11, s15, $0x38;
	[tilespmem:$0x10000] =	vst v63  }
0x3a: {  	s28 =	simm.s32 $0x580;
	s25 =	sadd.s32 $0x10000, s9;
	_ =	swait.ge [sflag:s18], $0x2000  }
.LBB2_2:
0x3b: {  	[sflag:s18] =	ssyncset.done $0x0  }
0x3c: {  	s31 =	simm.s32 @!p2 $0x5;
	s30 =	sadd.s32 s3, s30;
	[sflag:s18] =	ssyncadd.s32 $0xFFFFE000  }
0x3d: {  	[hbm4b:s30+s15] =	stream.strided.scatter [tilespmem:s13], [sflag:$0x8], $0x2000, s11, s15, $0x38;
	[tilespmem:$0x10000] =	vst v63  }
0x3e: {  	_ =	swait.ge @!p2 [sflag:s31], $0x2000  }
0x3f: {  	p1 =	sne.s32 s24, $0x180;
	[sflag:s31] =	ssyncset.done @!p2 $0x0  }
0x40: {  	s30 =	sadd.s32 $0xFFFFFF00, s26;
	[sflag:s31] =	ssyncadd.s32 @!p2 $0xFFFFE000;
	s31 =	simm.s32 @p1 $0x6  }
0x41: {  	[tilespmem:s12], [sflag:$0x1] =	stream.indirect.gather [hbm4b:s6+s11], $0x40, s30, s11, $0xb8;
	[tilespmem:$0x10000] =	vst v63  }
0x42: {  	_ =	swait.ge @p1 [sflag:s31], $0x2000  }
0x43: {  	s1 =	sadd.s32 @p1 $0xFFFFFF80, s26;
	s2 =	simm.s32 @p1 $0x80;
	[sflag:s31] =	ssyncset.done @p1 $0x0  }
0x44: {  	s30 =	simm.s32 @p1 $0xA000;
	[sflag:s31] =	ssyncadd.s32 @p1 $0xFFFFE000;
	s31 =	simm.s32 @p1 $0x7  }
0x45: {  	[tilespmem:s30], [sflag:$0x2] =	stream.indirect.gather @p1 [hbm4b:s6+s2], $0x40, s1, s2, $0xb8;
	[tilespmem:$0x10000] =	vst v63  }
0x46: {  	s29 =	smov.u32 s28;
	s0 =	sadd.s32 @p1 $0xFFFFFF00, s24;
	_ =	swait.ge @p1 [sflag:s31], $0x2000  }
0x47: {  	s28 =	sadd.s32 $0x200, s28;
	s0 =	simm.s32 @!p1 $0x80;
	[sflag:s31] =	ssyncset.done @p1 $0x0  }
0x48: {  	s30 =	simm.s32 @p1 $0xC000;
	[sflag:s31] =	ssyncadd.s32 @p1 $0xFFFFE000;
	s31 =	simm.s32 @p1 $0x8  }
0x49: {  	[tilespmem:s30], [sflag:$0x3] =	stream.indirect.gather @p1 [hbm4b:s6+s2], $0x40, s26, s2, $0xb8;
	[tilespmem:$0x10000] =	vst v63  }
0x4a: {  	p0 =	sne.s32 s28, $0x8180;
	s0 =	sadd.s32 s5, s0;
	_ =	swait.ge @p1 [sflag:s31], $0x2000  }
0x4b: {  	s4 =	simm.s32 @!p1 $0xC000;
	s0 =	sshll.u32 s0, $0x7;
	[sflag:s31] =	ssyncset.done @p1 $0x0  }
0x4c: {  	s2 =	simm.s32 @!p1 $0x80;
	s30 =	simm.s32 @!p1 $0xA000;
	[sflag:s31] =	ssyncadd.s32 @p1 $0xFFFFE000  }
0x4d: {  	[tilespmem:s30], [sflag:$0x2] =	stream.indirect.gather @!p1 [hbm4b:s6+s2], $0x40, s2, s2, $0xb8;
	[tilespmem:$0x10000] =	vst v63  }
0x4e: {  	s1 =	sadd.s32 @p1 $0xFFFFFF80, s24;
	s31 =	simm.s32 @!p1 $0x100;
	s30 =	smov.u32 s24  }
0x4f: {  	[tilespmem:s4], [sflag:$0x3] =	stream.indirect.gather @!p1 [hbm4b:s6+s2], $0x40, s31, s2, $0xb8;
	[tilespmem:$0x10000] =	vst v63  }
0x50: {  	s0 =	sor.u32 s7, s0;
	s1 =	simm.s32 @!p1 $0x100;
	s30 =	simm.s32 @!p1 $0x180  }
0x51: {  	[tilespmem:s13], [sflag:$0x4] =	stream.indirect.gather [hbm4b:s6+s11], $0x40, s30, s11, $0xb8;
	[tilespmem:$0x10000] =	vst v63  }
0x52: {  	s0 =	sshrl.u32 s0, $0x3;
	s1 =	sadd.s32 s5, s1;
	_ =	swait.ge [sflag:s14], $0x2000  }
0x53: {  	s24 =	smov.u32 s29;
	s29 =	sshrl.u32 s25, $0x3;
	[sflag:s14] =	ssyncset.done $0x0  }
0x54: {  	s1 =	sshll.u32 s1, $0x7;
	s2 =	sadd.s32 s3, s29;
	[sflag:s14] =	ssyncadd.s32 $0xFFFFE000  }
0x55: {  	[hbm4b:s2+s15] =	stream.strided.scatter [tilespmem:s12], [sflag:$0x5], $0x2000, s11, s15, $0x38;
	[tilespmem:$0x10000] =	vst v63  }
0x56: {  	s0 =	sadd.s32 s3, s0;
	s1 =	sor.u32 s7, s1;
	_ =	swait.ge [sflag:s16], $0x2000  }
0x57: {  	s26 =	sadd.s32 $0x200, s26;
	s1 =	sshrl.u32 s1, $0x3;
	[sflag:s16] =	ssyncset.done $0x0  }
0x58: {  	s1 =	sadd.s32 s3, s1;
	s29 =	rddreg [dreg:$0x4];
	[sflag:s16] =	ssyncadd.s32 $0xFFFFE000  }
0x59: {  	[hbm4b:s0+s15] =	stream.strided.scatter [tilespmem:s29], [sflag:$0x6], $0x2000, s11, s15, $0x38;
	[tilespmem:$0x10000] =	vst v63  }
.Ltmp0:
0x5a: {  	s31 =	sadd.s32 s5, s30;
	_ =	swait.ge [sflag:s17], $0x2000;
	(pc) =	sbr.rel @p0 .LBB2_2-.Ltmp0, $4  }
0x5b: {  	s25 =	sadd.s32 $0x10000, s25;
	s4 =	sshll.u32 s31, $0x7;
	[sflag:s17] =	ssyncset.done $0x0  }
0x5c: {  	s4 =	sor.u32 s7, s4;
	s31 =	rddreg [dreg:$0x5];
	[sflag:s17] =	ssyncadd.s32 $0xFFFFE000  }
0x5d: {  	[hbm4b:s1+s15] =	stream.strided.scatter [tilespmem:s31], [sflag:$0x7], $0x2000, s11, s15, $0x38;
	[tilespmem:$0x10000] =	vst v63  }
0x5e: {  	p2 =	seq.s32 s24, $0x180;
	s30 =	sshrl.u32 s4, $0x3;
	_ =	swait.ge [sflag:s18], $0x2000  }
0x5f: {  	[sflag:s18] =	ssyncset.done $0x0  }
0x60: {  	s0 =	simm.s32 @!p2 $0x5;
	s1 =	sadd.s32 s3, s30;
	[sflag:s18] =	ssyncadd.s32 $0xFFFFE000  }
0x61: {  	[hbm4b:s1+s15] =	stream.strided.scatter [tilespmem:s13], [sflag:$0x8], $0x2000, s11, s15, $0x38;
	[tilespmem:$0x10000] =	vst v63  }
0x62: {  	_ =	swait.ge @!p2 [sflag:s0], $0x2000  }
0x63: {  	p0 =	sne.s32 s24, $0x180;
	[sflag:s0] =	ssyncset.done @!p2 $0x0  }
0x64: {  	s4 =	sadd.s32 $0xFFFFFF00, s26;
	[sflag:s0] =	ssyncadd.s32 @!p2 $0xFFFFE000;
	s0 =	simm.s32 @p0 $0x6  }
0x65: {  	[tilespmem:s12], [sflag:$0x1] =	stream.indirect.gather [hbm4b:s6+s11], $0x40, s4, s11, $0xb8;
	[tilespmem:$0x10000] =	vst v63  }
0x66: {  	_ =	swait.ge @p0 [sflag:s0], $0x2000  }
0x67: {  	s2 =	sadd.s32 @p0 $0xFFFFFF80, s26;
	s1 =	simm.s32 @p0 $0xA000;
	[sflag:s0] =	ssyncset.done @p0 $0x0  }
0x68: {  	s4 =	simm.s32 @p0 $0x80;
	[sflag:s0] =	ssyncadd.s32 @p0 $0xFFFFE000;
	s0 =	simm.s32 @p0 $0x7  }
0x69: {  	[tilespmem:s1], [sflag:$0x2] =	stream.indirect.gather @p0 [hbm4b:s6+s4], $0x40, s2, s4, $0xb8;
	[tilespmem:$0x10000] =	vst v63  }
0x6a: {  	_ =	swait.ge @p0 [sflag:s0], $0x2000  }
0x6b: {  	[sflag:s0] =	ssyncset.done @p0 $0x0  }
0x6c: {  	s1 =	simm.s32 @p0 $0xC000;
	[sflag:s0] =	ssyncadd.s32 @p0 $0xFFFFE000;
	s0 =	simm.s32 @p0 $0x8  }
0x6d: {  	[tilespmem:s1], [sflag:$0x3] =	stream.indirect.gather @p0 [hbm4b:s6+s4], $0x40, s26, s4, $0xb8;
	[tilespmem:$0x10000] =	vst v63  }
0x6e: {  	_ =	swait.ge @p0 [sflag:s0], $0x2000  }
0x6f: {  	s2 =	simm.s32 @!p0 $0x80;
	[sflag:s0] =	ssyncset.done @p0 $0x0  }
0x70: {  	s1 =	sadd.s32 @p0 $0xFFFFFF00, s24;
	s4 =	simm.s32 @!p0 $0xA000;
	[sflag:s0] =	ssyncadd.s32 @p0 $0xFFFFE000  }
0x71: {  	[tilespmem:s4], [sflag:$0x2] =	stream.indirect.gather @!p0 [hbm4b:s6+s2], $0x40, s2, s2, $0xb8;
	[tilespmem:$0x10000] =	vst v63  }
0x72: {  	s26 =	simm.s32 @!p0 $0xC000;
	s1 =	simm.s32 @!p0 $0x80;
	s4 =	simm.s32 @!p0 $0x100  }
0x73: {  	[tilespmem:s26], [sflag:$0x3] =	stream.indirect.gather @!p0 [hbm4b:s6+s2], $0x40, s4, s2, $0xb8;
	[tilespmem:$0x10000] =	vst v63  }
0x74: {  	s1 =	sadd.s32 s5, s1;
	s0 =	sadd.s32 @p0 $0xFFFFFF80, s24;
	s24 =	simm.s32 @!p0 $0x180  }
0x75: {  	[tilespmem:s13], [sflag:$0x4] =	stream.indirect.gather [hbm4b:s6+s11], $0x40, s24, s11, $0xb8;
	[tilespmem:$0x10000] =	vst v63  }
0x76: {  	s1 =	sshll.u32 s1, $0x7;
	_ =	swait.ge [sflag:s14], $0x2000  }
0x77: {  	s1 =	sor.u32 s7, s1;
	s26 =	sshrl.u32 s25, $0x3;
	[sflag:s14] =	ssyncset.done $0x0  }
0x78: {  	s0 =	simm.s32 @!p0 $0x100;
	s2 =	sadd.s32 s3, s26;
	[sflag:s14] =	ssyncadd.s32 $0xFFFFE000  }
0x79: {  	[hbm4b:s2+s15] =	stream.strided.scatter [tilespmem:s12], [sflag:$0x5], $0x2000, s11, s15, $0x38;
	[tilespmem:$0x10000] =	vst v63  }
0x7a: {  	s1 =	sshrl.u32 s1, $0x3;
	s0 =	sadd.s32 s5, s0;
	_ =	swait.ge [sflag:s16], $0x2000  }
0x7b: {  	s1 =	sadd.s32 s3, s1;
	s0 =	sshll.u32 s0, $0x7;
	[sflag:s16] =	ssyncset.done $0x0  }
0x7c: {  	s0 =	sor.u32 s7, s0;
	s28 =	rddreg [dreg:$0x4];
	[sflag:s16] =	ssyncadd.s32 $0xFFFFE000  }
0x7d: {  	[hbm4b:s1+s15] =	stream.strided.scatter [tilespmem:s28], [sflag:$0x6], $0x2000, s11, s15, $0x38;
	[tilespmem:$0x10000] =	vst v63  }
0x7e: {  	s0 =	sshrl.u32 s0, $0x3;
	_ =	swait.ge [sflag:s17], $0x2000  }
0x7f: {  	s30 =	sadd.s32 s5, s24;
	s0 =	sadd.s32 s3, s0;
	[sflag:s17] =	ssyncset.done $0x0  }
0x80: {  	s2 =	sshll.u32 s30, $0x7;
	s29 =	rddreg [dreg:$0x5];
	[sflag:s17] =	ssyncadd.s32 $0xFFFFE000  }
0x81: {  	[hbm4b:s0+s15] =	stream.strided.scatter [tilespmem:s29], [sflag:$0x7], $0x2000, s11, s15, $0x38;
	[tilespmem:$0x10000] =	vst v63  }
0x82: {  	s31 =	sor.u32 s7, s2;
	_ =	swait.ge [sflag:s18], $0x2000  }
0x83: {  	s0 =	sshrl.u32 s31, $0x3;
	[sflag:s18] =	ssyncset.done $0x0  }
0x84: {  	s0 =	sadd.s32 s3, s0;
	[sflag:s18] =	ssyncadd.s32 $0xFFFFE000  }
0x85: {  	[hbm4b:s0+s15] =	stream.strided.scatter [tilespmem:s13], [sflag:$0x8], $0x2000, s11, s15, $0x38;
	[tilespmem:$0x10000] =	vst v63  }
0x86: {  	_ =	swait.ge [sflag:s19], $0x2000  }
0x87: {  	[sflag:s19] =	ssyncset.done $0x0  }
0x88: {  	[sflag:s19] =	ssyncadd.s32 $0xFFFFE000  }
0x89: {  	_ =	swait.ge [sflag:s20], $0x2000  }
0x8a: {  	[sflag:s20] =	ssyncset.done $0x0  }
0x8b: {  	s23 =	sadd.s32 $0x1, s23;
	[sflag:s20] =	ssyncadd.s32 $0xFFFFE000  }
0x8c: {  	p0 =	sne.s32 s23, s8;
	_ =	swait.ge [sflag:s21], $0x2000  }
.Ltmp1:
0x8d: {  	[sflag:s21] =	ssyncset.done $0x0;
	(pc) =	sbr.rel @p0 .LBB2_1-.Ltmp1, $4  }
0x8e: {  	[sflag:s21] =	ssyncadd.s32 $0xFFFFE000  }
0x8f: {  	_ =	swait.ge [sflag:s22], $0x2000  }
0x90: {  	[sflag:s22] =	ssyncset.done $0x0  }
0x91: {  	[sflag:s22] =	ssyncadd.s32 $0xFFFFE000  }
0x92: {  	_ =	sfence.sel $0x180000  }
0x93: {  	[bflag:$0x0] =	sbarrier.arrive $0xFFFF  }
0x94: {  	_ =	strace $0x90000047  }
0x95: {  	s0 =	stileid.u32;
	[bflag:$0x2] =	sbarrier.arrive $0xFFFF  }
0x96: {  	p0 =	sne.s32 s0, $0x0;
	s0 =	rddreg [dreg:$0x3]  }
0x97: {  	s0 =	sadd.s32 @!p0 $0x100000, s0  }
0x98: {  	[sflag:s0] =	ssyncadd.tile.s32 @!p0 $0x1;
	_ =	shalt  }
.Lfunc_end2:
_tile_overlayer_lowered:
.L_overlay_start_2:
0x99: {  	(tag) =	ssettag $0x2  }
0x9a: {  	s0 =	rddreg [dreg:$0x0];
	s2 =	stileid.u32  }
0x9b: {  	s1 =	rddreg [dreg:$0x1];
	p0 =	sne.s32 s2, $0x0  }
0x9c: {  	s3 =	rddreg [dreg:$0x2];
	[bflag:$0x3] =	sbarrier.arrive $0xFFFF;
	s2 =	simm.s32 @!p0 $0x1C09  }
0x9d: {  	[timem:s3], [sflag:s2] =	dma.local @!p0 [hbm:s0], s1  }
0x9e: {  	s0 =	simm.s32 @!p0 $0x9  }
0x9f: {  	_ =	swait.ge @!p0 [sflag:s0], s1  }
0xa0: {  	s1 =	ssub.s32 @!p0 $0x0, s1;
	[sflag:s0] =	ssyncset.done @!p0 $0x0  }
0xa1: {  	[sflag:s0] =	ssyncadd.s32 @!p0 s1  }
0xa2: {  	[bflag:$0x3] =	sbarrier.arrive $0xFFFF  }
0xa3: {  	_ =	shalt  }

</sc_bundles>
